<compile_context>
chip_gen: v7x
topology: tpu7x:2x2x1
jax: 0.10.2.dev20260603
libtpu: 0.0.44.dev20260713+nightly
codegen_flags: <defaults>
</compile_context>

<pallas_src>
import functools

import jax
import jax.numpy as jnp
from jax import lax
from jax.experimental import pallas as pl
from jax.experimental.pallas import tpu as pltpu
from jax.experimental.pallas import tpu_sc as plsc

_POSITIONS = 100000
_BATCH = 16384
_HIST = 200
_NW = 32
_COLS_PER_W = _BATCH // _NW
_CR = 8
_NCHUNKS = _HIST // _CR
_GROUPS = _CR * _COLS_PER_W // 16


def _gather_body(pos_hbm, table_hbm, out_hbm, table_v,
                 idx_v, out_v, sem_i, sem_o):
    wid = lax.axis_index("s") * 2 + lax.axis_index("c")
    col0 = wid * _COLS_PER_W

    def pos_at(c):
        return pos_hbm.at[pl.ds(c * _CR, _CR), pl.ds(col0, _COLS_PER_W)]

    def out_at(c):
        return out_hbm.at[pl.ds(c * _CR, _CR), pl.ds(col0, _COLS_PER_W)]

    pltpu.async_copy(pos_at(0), idx_v.at[0], sem_i.at[0])
    pltpu.sync_copy(table_hbm.at[0], table_v)

    def chunk_body(c, carry):
        b = c & 1

        @pl.when(c + 1 < _NCHUNKS)
        def _():
            pltpu.async_copy(pos_at(c + 1), idx_v.at[1 - b], sem_i.at[1 - b])

        pltpu.make_async_copy(pos_at(c), idx_v.at[b], sem_i.at[b]).wait()

        @pl.when(c >= 2)
        def _():
            pltpu.make_async_copy(out_v.at[b], out_at(c - 2), sem_o.at[b]).wait()

        @plsc.parallel_loop(0, _COLS_PER_W, 16, unroll=2)
        def gather16(col):
            for r in range(_CR):
                idx = idx_v[b, r, pl.ds(col, 16)]
                out_v[b, r, pl.ds(col, 16)] = plsc.load_gather(table_v, [idx])

        pltpu.async_copy(out_v.at[b], out_at(c), sem_o.at[b])
        return carry

    lax.fori_loop(0, _NCHUNKS, chunk_body, 0)

    pltpu.make_async_copy(
        out_v.at[1], out_at(_NCHUNKS - 2), sem_o.at[1]).wait()
    pltpu.make_async_copy(
        out_v.at[0], out_at(_NCHUNKS - 1), sem_o.at[0]).wait()


_gather_kernel = functools.partial(
    pl.kernel,
    out_type=jax.ShapeDtypeStruct((_HIST, _BATCH), jnp.float32),
    mesh=plsc.VectorSubcoreMesh(core_axis_name="c", subcore_axis_name="s"),
    scratch_types=[
        pltpu.VMEM((_POSITIONS,), jnp.float32),
        pltpu.VMEM((2, _CR, _COLS_PER_W), jnp.int32),
        pltpu.VMEM((2, _CR, _COLS_PER_W), jnp.float32),
        pltpu.SemaphoreType.DMA((2,)),
        pltpu.SemaphoreType.DMA((2,)),
    ],
    compiler_params=pltpu.CompilerParams(needs_layout_passes=False),
)(_gather_body)


@jax.jit
def kernel(positions, table):
    out_t = _gather_kernel(positions.astype(jnp.int32).T, table.T)
    return out_t.T

# --- scband reference (transcript-rebuilt; emitter-appended) ---
"""Pipeline reference for scband-embedding-bias-tower-5102421147801 (READ-ONLY COPY).

The authoritative reference and input builder live on the scoring server;
editing this copy changes nothing except your own understanding.
"""

import jax, jax.numpy as jnp
import numpy as np

POSITIONS = 100000
EMBED_DIM = 1
BATCH = 16384
HIST = 200

def setup_inputs(seed: int = 0) -> dict:
    key = jax.random.key(seed)
    k1, k2 = jax.random.split(key)
    positions = jax.random.randint(k1, (BATCH, HIST), 0, POSITIONS, dtype=jnp.int64 if jax.config.jax_enable_x64 else jnp.int32)
    # nnx.Embed default init: variance-scaling-ish normal; use small normal
    table = jax.random.normal(k2, (POSITIONS, EMBED_DIM), dtype=jnp.float32) * 0.02
    return {"positions": positions, "table": table}

def reference(positions, table):
    # x = self.embedding(x)  -> gather rows of table
    x = jnp.take(table, positions, axis=0)  # [B, L, 1]
    x = jnp.squeeze(x)                      # [B, L]
    x = jnp.atleast_2d(x)
    return x

if __name__ == "__main__":
    import jax
    _d = setup_inputs()
    print(jax.jit(kernel)(*tuple(_d.values())))

</pallas_src>

<mosaic_0001>
#map = affine_map<(d0, d1) -> (0, 0)>
module attributes {stable_mosaic.version = 14 : i64} {
  func.func @_gather_body(%arg0: i32, %arg1: i32, %arg2: memref<200x16384xi32, #tpu.memory_space<hbm>>, %arg3: memref<1x100000xf32, #tpu.memory_space<hbm>>, %arg4: memref<200x16384xf32, #tpu.memory_space<hbm>>, %arg5: memref<100000xf32, #tpu.memory_space<vmem>>, %arg6: memref<2x8x512xi32, #tpu.memory_space<vmem>>, %arg7: memref<2x8x512xf32, #tpu.memory_space<vmem>>, %arg8: memref<2x!tpu.dma_semaphore, #tpu.memory_space<semaphore_mem>>, %arg9: memref<2x!tpu.dma_semaphore, #tpu.memory_space<semaphore_mem>>) attributes {dimension_semantics = [#tpu.dimension_semantics<core_parallel>, #tpu.dimension_semantics<subcore_parallel>], iteration_bounds = array<i64: 2, 16>, scalar_prefetch = 0 : i64, scratch_operands = 5 : i64, tpu.core_type = #tpu.core_type<sc_vector_subcore>, window_params = [{transform_indices = #map}, {transform_indices = #map}, {transform_indices = #map}]} {
    %mul3A = arith.constant 2 : i32
    %mul3A_0 = arith.muli %arg1, %mul3A : i32
    %add3A = arith.addi %mul3A_0, %arg0 : i32
    %mul3A_1 = arith.constant 512 : i32
    %mul3A_2 = arith.muli %add3A, %mul3A_1 : i32
    %dma_start3A = arith.constant 0 : i32
    %dma_start3A_3 = arith.constant 0 : i32
    %dma_start3A_4 = arith.constant 0 : i32
    %dma_start3A_5 = arith.constant 0 : i32
    %dma_start3A_6 = tpu.memref_slice %arg6[%dma_start3A, %dma_start3A_4, %dma_start3A_5] : memref<2x8x512xi32, #tpu.memory_space<vmem>> -> memref<1x8x512xi32, #tpu.memory_space<vmem>>
    %dma_start3A_7 = tpu.memref_squeeze %dma_start3A_6 : memref<1x8x512xi32, #tpu.memory_space<vmem>> -> memref<8x512xi32, #tpu.memory_space<vmem>>
    %dma_start3A_8 = arith.constant 0 : i32
    %dma_start3A_9 = tpu.memref_slice %arg2[%dma_start3A_8, %mul3A_2] : memref<200x16384xi32, #tpu.memory_space<hbm>> -> memref<8x512xi32, #tpu.memory_space<hbm>>
    %dma_start3A_10 = tpu.memref_slice %arg8[%dma_start3A_3] : memref<2x!tpu.dma_semaphore, #tpu.memory_space<semaphore_mem>> -> memref<1x!tpu.dma_semaphore, #tpu.memory_space<semaphore_mem>>
    %dma_start3A_11 = tpu.memref_squeeze %dma_start3A_10 : memref<1x!tpu.dma_semaphore, #tpu.memory_space<semaphore_mem>> -> memref<!tpu.dma_semaphore, #tpu.memory_space<semaphore_mem>>
    %dma_start3A_12 = arith.constant 0 : i32
    %dma_start3A_13 = arith.constant 0 : i32
    %dma_start3A_14 = tpu.memref_slice %arg6[%dma_start3A, %dma_start3A_12, %dma_start3A_13] : memref<2x8x512xi32, #tpu.memory_space<vmem>> -> memref<1x8x512xi32, #tpu.memory_space<vmem>>
    %dma_start3A_15 = tpu.memref_squeeze %dma_start3A_14 : memref<1x8x512xi32, #tpu.memory_space<vmem>> -> memref<8x512xi32, #tpu.memory_space<vmem>>
    %dma_start3A_16 = arith.constant 0 : i32
    %dma_start3A_17 = tpu.memref_slice %arg2[%dma_start3A_16, %mul3A_2] : memref<200x16384xi32, #tpu.memory_space<hbm>> -> memref<8x512xi32, #tpu.memory_space<hbm>>
    tpu.enqueue_dma source(%dma_start3A_17 : memref<8x512xi32, #tpu.memory_space<hbm>>) target(%dma_start3A_15 : memref<8x512xi32, #tpu.memory_space<vmem>>) target_semaphore(%dma_start3A_11 : memref<!tpu.dma_semaphore, #tpu.memory_space<semaphore_mem>>)
    %run_scoped3A = arith.constant 0 : i32
    "tpu.region"() ({
      %run_scoped3A_54 = tpu.sem_alloc : memref<!tpu.dma_semaphore, #tpu.memory_space<semaphore_mem>>
      %dma_start3A_55 = arith.constant 0 : i32
      %dma_start3A_56 = tpu.memref_slice %arg3[%run_scoped3A, %dma_start3A_55] : memref<1x100000xf32, #tpu.memory_space<hbm>> -> memref<1x100000xf32, #tpu.memory_space<hbm>>
      %dma_start3A_57 = tpu.memref_squeeze %dma_start3A_56 : memref<1x100000xf32, #tpu.memory_space<hbm>> -> memref<100000xf32, #tpu.memory_space<hbm>>
      %dma_start3A_58 = arith.constant 0 : i32
      %dma_start3A_59 = tpu.memref_slice %arg3[%run_scoped3A, %dma_start3A_58] : memref<1x100000xf32, #tpu.memory_space<hbm>> -> memref<1x100000xf32, #tpu.memory_space<hbm>>
      %dma_start3A_60 = tpu.memref_squeeze %dma_start3A_59 : memref<1x100000xf32, #tpu.memory_space<hbm>> -> memref<100000xf32, #tpu.memory_space<hbm>>
      tpu.enqueue_dma source(%dma_start3A_60 : memref<100000xf32, #tpu.memory_space<hbm>>) target(%arg5 : memref<100000xf32, #tpu.memory_space<vmem>>) target_semaphore(%run_scoped3A_54 : memref<!tpu.dma_semaphore, #tpu.memory_space<semaphore_mem>>)
      %dma_wait3A_61 = arith.constant 0 : i32
      %dma_wait3A_62 = tpu.memref_slice %arg3[%run_scoped3A, %dma_wait3A_61] : memref<1x100000xf32, #tpu.memory_space<hbm>> -> memref<1x100000xf32, #tpu.memory_space<hbm>>
      %dma_wait3A_63 = tpu.memref_squeeze %dma_wait3A_62 : memref<1x100000xf32, #tpu.memory_space<hbm>> -> memref<100000xf32, #tpu.memory_space<hbm>>
      %dma_wait3A_64 = arith.constant 0 : i32
      %dma_wait3A_65 = tpu.memref_slice %arg3[%run_scoped3A, %dma_wait3A_64] : memref<1x100000xf32, #tpu.memory_space<hbm>> -> memref<1x100000xf32, #tpu.memory_space<hbm>>
      %dma_wait3A_66 = tpu.memref_squeeze %dma_wait3A_65 : memref<1x100000xf32, #tpu.memory_space<hbm>> -> memref<100000xf32, #tpu.memory_space<hbm>>
      tpu.wait_dma2 semaphore(%run_scoped3A_54 : memref<!tpu.dma_semaphore, #tpu.memory_space<semaphore_mem>>) src(%dma_wait3A_66 : memref<100000xf32, #tpu.memory_space<hbm>>) dst(%arg5 : memref<100000xf32, #tpu.memory_space<vmem>>)
      tpu.yield
    }) : () -> ()
    %scan3A = arith.constant 0 : i32
    %scan3A_18 = arith.constant 0 : i32
    %scan3A_19 = arith.constant 25 : i32
    %scan3A_20 = arith.addi %scan3A_18, %scan3A_19 : i32
    %scan3A_21 = arith.constant 1 : i32
    scf.for %scan3A_54 = %scan3A_18 to %scan3A_20 step %scan3A_21  : i32 {
      %and3A = arith.constant 1 : i32
      %and3A_55 = arith.andi %scan3A_54, %and3A : i32
      %add3A_56 = arith.constant 1 : i32
      %add3A_57 = arith.addi %scan3A_54, %add3A_56 : i32
      %lt3A = arith.constant 25 : i32
      %lt3A_58 = arith.cmpi slt, %add3A_57, %lt3A : i32
      %convert_element_type3A = arith.extui %lt3A_58 : i1 to i32
      %cond3A = arith.constant 0 : i32
      %cond3A_59 = arith.cmpi ne, %convert_element_type3A, %cond3A : i32
      scf.if %cond3A_59 {
        %add3A_94 = arith.constant 1 : i32
        %add3A_95 = arith.addi %scan3A_54, %add3A_94 : i32
        %mul3A_96 = arith.constant 8 : i32
        %mul3A_97 = arith.muli %add3A_95, %mul3A_96 : i32
        %sub3A = arith.constant 1 : i32
        %sub3A_98 = arith.subi %sub3A, %and3A_55 : i32
        %sub3A_99 = arith.constant 1 : i32
        %sub3A_100 = arith.subi %sub3A_99, %and3A_55 : i32
        %dma_start3A_101 = arith.constant 0 : i32
        %dma_start3A_102 = arith.constant 0 : i32
        %dma_start3A_103 = tpu.memref_slice %arg6[%sub3A_98, %dma_start3A_101, %dma_start3A_102] : memref<2x8x512xi32, #tpu.memory_space<vmem>> -> memref<1x8x512xi32, #tpu.memory_space<vmem>>
        %dma_start3A_104 = tpu.memref_squeeze %dma_start3A_103 : memref<1x8x512xi32, #tpu.memory_space<vmem>> -> memref<8x512xi32, #tpu.memory_space<vmem>>
        %dma_start3A_105 = tpu.memref_slice %arg2[%mul3A_97, %mul3A_2] : memref<200x16384xi32, #tpu.memory_space<hbm>> -> memref<8x512xi32, #tpu.memory_space<hbm>>
        %dma_start3A_106 = tpu.memref_slice %arg8[%sub3A_100] : memref<2x!tpu.dma_semaphore, #tpu.memory_space<semaphore_mem>> -> memref<1x!tpu.dma_semaphore, #tpu.memory_space<semaphore_mem>>
        %dma_start3A_107 = tpu.memref_squeeze %dma_start3A_106 : memref<1x!tpu.dma_semaphore, #tpu.memory_space<semaphore_mem>> -> memref<!tpu.dma_semaphore, #tpu.memory_space<semaphore_mem>>
        %dma_start3A_108 = arith.constant 0 : i32
        %dma_start3A_109 = arith.constant 0 : i32
        %dma_start3A_110 = tpu.memref_slice %arg6[%sub3A_98, %dma_start3A_108, %dma_start3A_109] : memref<2x8x512xi32, #tpu.memory_space<vmem>> -> memref<1x8x512xi32, #tpu.memory_space<vmem>>
        %dma_start3A_111 = tpu.memref_squeeze %dma_start3A_110 : memref<1x8x512xi32, #tpu.memory_space<vmem>> -> memref<8x512xi32, #tpu.memory_space<vmem>>
        %dma_start3A_112 = tpu.memref_slice %arg2[%mul3A_97, %mul3A_2] : memref<200x16384xi32, #tpu.memory_space<hbm>> -> memref<8x512xi32, #tpu.memory_space<hbm>>
        tpu.enqueue_dma source(%dma_start3A_112 : memref<8x512xi32, #tpu.memory_space<hbm>>) target(%dma_start3A_111 : memref<8x512xi32, #tpu.memory_space<vmem>>) target_semaphore(%dma_start3A_107 : memref<!tpu.dma_semaphore, #tpu.memory_space<semaphore_mem>>)
      } else {
      }
      %mul3A_60 = arith.constant 8 : i32
      %mul3A_61 = arith.muli %scan3A_54, %mul3A_60 : i32
      %dma_wait3A_62 = arith.constant 0 : i32
      %dma_wait3A_63 = arith.constant 0 : i32
      %dma_wait3A_64 = tpu.memref_slice %arg6[%and3A_55, %dma_wait3A_62, %dma_wait3A_63] : memref<2x8x512xi32, #tpu.memory_space<vmem>> -> memref<1x8x512xi32, #tpu.memory_space<vmem>>
      %dma_wait3A_65 = tpu.memref_squeeze %dma_wait3A_64 : memref<1x8x512xi32, #tpu.memory_space<vmem>> -> memref<8x512xi32, #tpu.memory_space<vmem>>
      %dma_wait3A_66 = tpu.memref_slice %arg2[%mul3A_61, %mul3A_2] : memref<200x16384xi32, #tpu.memory_space<hbm>> -> memref<8x512xi32, #tpu.memory_space<hbm>>
      %dma_wait3A_67 = tpu.memref_slice %arg8[%and3A_55] : memref<2x!tpu.dma_semaphore, #tpu.memory_space<semaphore_mem>> -> memref<1x!tpu.dma_semaphore, #tpu.memory_space<semaphore_mem>>
      %dma_wait3A_68 = tpu.memref_squeeze %dma_wait3A_67 : memref<1x!tpu.dma_semaphore, #tpu.memory_space<semaphore_mem>> -> memref<!tpu.dma_semaphore, #tpu.memory_space<semaphore_mem>>
      %dma_wait3A_69 = arith.constant 0 : i32
      %dma_wait3A_70 = arith.constant 0 : i32
      %dma_wait3A_71 = tpu.memref_slice %arg6[%and3A_55, %dma_wait3A_69, %dma_wait3A_70] : memref<2x8x512xi32, #tpu.memory_space<vmem>> -> memref<1x8x512xi32, #tpu.memory_space<vmem>>
      %dma_wait3A_72 = tpu.memref_squeeze %dma_wait3A_71 : memref<1x8x512xi32, #tpu.memory_space<vmem>> -> memref<8x512xi32, #tpu.memory_space<vmem>>
      %dma_wait3A_73 = tpu.memref_slice %arg2[%mul3A_61, %mul3A_2] : memref<200x16384xi32, #tpu.memory_space<hbm>> -> memref<8x512xi32, #tpu.memory_space<hbm>>
      tpu.wait_dma2 semaphore(%dma_wait3A_68 : memref<!tpu.dma_semaphore, #tpu.memory_space<semaphore_mem>>) src(%dma_wait3A_73 : memref<8x512xi32, #tpu.memory_space<hbm>>) dst(%dma_wait3A_72 : memref<8x512xi32, #tpu.memory_space<vmem>>)
      %ge3A = arith.constant 2 : i32
      %ge3A_74 = arith.cmpi sge, %scan3A_54, %ge3A : i32
      %convert_element_type3A_75 = arith.extui %ge3A_74 : i1 to i32
      %cond3A_76 = arith.constant 0 : i32
      %cond3A_77 = arith.cmpi ne, %convert_element_type3A_75, %cond3A_76 : i32
      scf.if %cond3A_77 {
        %sub3A = arith.constant 2 : i32
        %sub3A_94 = arith.subi %scan3A_54, %sub3A : i32
        %mul3A_95 = arith.constant 8 : i32
        %mul3A_96 = arith.muli %sub3A_94, %mul3A_95 : i32
        %dma_wait3A_97 = arith.constant 0 : i32
        %dma_wait3A_98 = arith.constant 0 : i32
        %dma_wait3A_99 = tpu.memref_slice %arg7[%and3A_55, %dma_wait3A_97, %dma_wait3A_98] : memref<2x8x512xf32, #tpu.memory_space<vmem>> -> memref<1x8x512xf32, #tpu.memory_space<vmem>>
        %dma_wait3A_100 = tpu.memref_squeeze %dma_wait3A_99 : memref<1x8x512xf32, #tpu.memory_space<vmem>> -> memref<8x512xf32, #tpu.memory_space<vmem>>
        %dma_wait3A_101 = tpu.memref_slice %arg4[%mul3A_96, %mul3A_2] : memref<200x16384xf32, #tpu.memory_space<hbm>> -> memref<8x512xf32, #tpu.memory_space<hbm>>
        %dma_wait3A_102 = tpu.memref_slice %arg9[%and3A_55] : memref<2x!tpu.dma_semaphore, #tpu.memory_space<semaphore_mem>> -> memref<1x!tpu.dma_semaphore, #tpu.memory_space<semaphore_mem>>
        %dma_wait3A_103 = tpu.memref_squeeze %dma_wait3A_102 : memref<1x!tpu.dma_semaphore, #tpu.memory_space<semaphore_mem>> -> memref<!tpu.dma_semaphore, #tpu.memory_space<semaphore_mem>>
        %dma_wait3A_104 = tpu.memref_slice %arg4[%mul3A_96, %mul3A_2] : memref<200x16384xf32, #tpu.memory_space<hbm>> -> memref<8x512xf32, #tpu.memory_space<hbm>>
        %dma_wait3A_105 = arith.constant 0 : i32
        %dma_wait3A_106 = arith.constant 0 : i32
        %dma_wait3A_107 = tpu.memref_slice %arg7[%and3A_55, %dma_wait3A_105, %dma_wait3A_106] : memref<2x8x512xf32, #tpu.memory_space<vmem>> -> memref<1x8x512xf32, #tpu.memory_space<vmem>>
        %dma_wait3A_108 = tpu.memref_squeeze %dma_wait3A_107 : memref<1x8x512xf32, #tpu.memory_space<vmem>> -> memref<8x512xf32, #tpu.memory_space<vmem>>
        tpu.wait_dma2 semaphore(%dma_wait3A_103 : memref<!tpu.dma_semaphore, #tpu.memory_space<semaphore_mem>>) src(%dma_wait3A_108 : memref<8x512xf32, #tpu.memory_space<vmem>>) dst(%dma_wait3A_104 : memref<8x512xf32, #tpu.memory_space<hbm>>)
      } else {
      }
      %parallel_loop3A = arith.constant 0 : i32
      %parallel_loop3A_78 = arith.constant 512 : i32
      %parallel_loop3A_79 = arith.constant 16 : i32
      scf.for %parallel_loop3A_94 = %parallel_loop3A to %parallel_loop3A_78 step %parallel_loop3A_79  : i32 {
        %parallel_loop3A_95 = arith.constant 0 : i32
        %parallel_loop3A_96 = arith.index_cast %and3A_55 : i32 to index
        %parallel_loop3A_97 = arith.index_cast %parallel_loop3A_95 : i32 to index
        %parallel_loop3A_98 = arith.index_cast %parallel_loop3A_94 : i32 to index
        %parallel_loop3A_99 = tpu.vector_load %arg6[%parallel_loop3A_96, %parallel_loop3A_97, %parallel_loop3A_98] {strides = array<i32>} : memref<2x8x512xi32, #tpu.memory_space<vmem>>, vector<16xi32>,
        %parallel_loop3A_100 = tpu.vector_load_idx %arg5[%parallel_loop3A_99] : memref<100000xf32, #tpu.memory_space<vmem>>[vector<16xi32>], vector<16xf32>,
        %parallel_loop3A_101 = arith.constant 0 : i32
        %parallel_loop3A_102 = arith.index_cast %and3A_55 : i32 to index
        %parallel_loop3A_103 = arith.index_cast %parallel_loop3A_101 : i32 to index
        %parallel_loop3A_104 = arith.index_cast %parallel_loop3A_94 : i32 to index
        %parallel_loop3A_105 = tpu.vector_load %arg7[%parallel_loop3A_102, %parallel_loop3A_103, %parallel_loop3A_104] {strides = array<i32>} : memref<2x8x512xf32, #tpu.memory_space<vmem>>, vector<16xf32>,
        tpu.vector_store %arg7[%parallel_loop3A_102, %parallel_loop3A_103, %parallel_loop3A_104], %parallel_loop3A_100 {strides = array<i32>} : memref<2x8x512xf32, #tpu.memory_space<vmem>>, vector<16xf32>,
        %parallel_loop3A_106 = arith.constant 1 : i32
        %parallel_loop3A_107 = arith.index_cast %and3A_55 : i32 to index
        %parallel_loop3A_108 = arith.index_cast %parallel_loop3A_106 : i32 to index
        %parallel_loop3A_109 = arith.index_cast %parallel_loop3A_94 : i32 to index
        %parallel_loop3A_110 = tpu.vector_load %arg6[%parallel_loop3A_107, %parallel_loop3A_108, %parallel_loop3A_109] {strides = array<i32>} : memref<2x8x512xi32, #tpu.memory_space<vmem>>, vector<16xi32>,
        %parallel_loop3A_111 = tpu.vector_load_idx %arg5[%parallel_loop3A_110] : memref<100000xf32, #tpu.memory_space<vmem>>[vector<16xi32>], vector<16xf32>,
        %parallel_loop3A_112 = arith.constant 1 : i32
        %parallel_loop3A_113 = arith.index_cast %and3A_55 : i32 to index
        %parallel_loop3A_114 = arith.index_cast %parallel_loop3A_112 : i32 to index
        %parallel_loop3A_115 = arith.index_cast %parallel_loop3A_94 : i32 to index
        %parallel_loop3A_116 = tpu.vector_load %arg7[%parallel_loop3A_113, %parallel_loop3A_114, %parallel_loop3A_115] {strides = array<i32>} : memref<2x8x512xf32, #tpu.memory_space<vmem>>, vector<16xf32>,
        tpu.vector_store %arg7[%parallel_loop3A_113, %parallel_loop3A_114, %parallel_loop3A_115], %parallel_loop3A_111 {strides = array<i32>} : memref<2x8x512xf32, #tpu.memory_space<vmem>>, vector<16xf32>,
        %parallel_loop3A_117 = arith.constant 2 : i32
        %parallel_loop3A_118 = arith.index_cast %and3A_55 : i32 to index
        %parallel_loop3A_119 = arith.index_cast %parallel_loop3A_117 : i32 to index
        %parallel_loop3A_120 = arith.index_cast %parallel_loop3A_94 : i32 to index
        %parallel_loop3A_121 = tpu.vector_load %arg6[%parallel_loop3A_118, %parallel_loop3A_119, %parallel_loop3A_120] {strides = array<i32>} : memref<2x8x512xi32, #tpu.memory_space<vmem>>, vector<16xi32>,
        %parallel_loop3A_122 = tpu.vector_load_idx %arg5[%parallel_loop3A_121] : memref<100000xf32, #tpu.memory_space<vmem>>[vector<16xi32>], vector<16xf32>,
        %parallel_loop3A_123 = arith.constant 2 : i32
        %parallel_loop3A_124 = arith.index_cast %and3A_55 : i32 to index
        %parallel_loop3A_125 = arith.index_cast %parallel_loop3A_123 : i32 to index
        %parallel_loop3A_126 = arith.index_cast %parallel_loop3A_94 : i32 to index
        %parallel_loop3A_127 = tpu.vector_load %arg7[%parallel_loop3A_124, %parallel_loop3A_125, %parallel_loop3A_126] {strides = array<i32>} : memref<2x8x512xf32, #tpu.memory_space<vmem>>, vector<16xf32>,
        tpu.vector_store %arg7[%parallel_loop3A_124, %parallel_loop3A_125, %parallel_loop3A_126], %parallel_loop3A_122 {strides = array<i32>} : memref<2x8x512xf32, #tpu.memory_space<vmem>>, vector<16xf32>,
        %parallel_loop3A_128 = arith.constant 3 : i32
        %parallel_loop3A_129 = arith.index_cast %and3A_55 : i32 to index
        %parallel_loop3A_130 = arith.index_cast %parallel_loop3A_128 : i32 to index
        %parallel_loop3A_131 = arith.index_cast %parallel_loop3A_94 : i32 to index
        %parallel_loop3A_132 = tpu.vector_load %arg6[%parallel_loop3A_129, %parallel_loop3A_130, %parallel_loop3A_131] {strides = array<i32>} : memref<2x8x512xi32, #tpu.memory_space<vmem>>, vector<16xi32>,
        %parallel_loop3A_133 = tpu.vector_load_idx %arg5[%parallel_loop3A_132] : memref<100000xf32, #tpu.memory_space<vmem>>[vector<16xi32>], vector<16xf32>,
        %parallel_loop3A_134 = arith.constant 3 : i32
        %parallel_loop3A_135 = arith.index_cast %and3A_55 : i32 to index
        %parallel_loop3A_136 = arith.index_cast %parallel_loop3A_134 : i32 to index
        %parallel_loop3A_137 = arith.index_cast %parallel_loop3A_94 : i32 to index
        %parallel_loop3A_138 = tpu.vector_load %arg7[%parallel_loop3A_135, %parallel_loop3A_136, %parallel_loop3A_137] {strides = array<i32>} : memref<2x8x512xf32, #tpu.memory_space<vmem>>, vector<16xf32>,
        tpu.vector_store %arg7[%parallel_loop3A_135, %parallel_loop3A_136, %parallel_loop3A_137], %parallel_loop3A_133 {strides = array<i32>} : memref<2x8x512xf32, #tpu.memory_space<vmem>>, vector<16xf32>,
        %parallel_loop3A_139 = arith.constant 4 : i32
        %parallel_loop3A_140 = arith.index_cast %and3A_55 : i32 to index
        %parallel_loop3A_141 = arith.index_cast %parallel_loop3A_139 : i32 to index
        %parallel_loop3A_142 = arith.index_cast %parallel_loop3A_94 : i32 to index
        %parallel_loop3A_143 = tpu.vector_load %arg6[%parallel_loop3A_140, %parallel_loop3A_141, %parallel_loop3A_142] {strides = array<i32>} : memref<2x8x512xi32, #tpu.memory_space<vmem>>, vector<16xi32>,
        %parallel_loop3A_144 = tpu.vector_load_idx %arg5[%parallel_loop3A_143] : memref<100000xf32, #tpu.memory_space<vmem>>[vector<16xi32>], vector<16xf32>,
        %parallel_loop3A_145 = arith.constant 4 : i32
        %parallel_loop3A_146 = arith.index_cast %and3A_55 : i32 to index
        %parallel_loop3A_147 = arith.index_cast %parallel_loop3A_145 : i32 to index
        %parallel_loop3A_148 = arith.index_cast %parallel_loop3A_94 : i32 to index
        %parallel_loop3A_149 = tpu.vector_load %arg7[%parallel_loop3A_146, %parallel_loop3A_147, %parallel_loop3A_148] {strides = array<i32>} : memref<2x8x512xf32, #tpu.memory_space<vmem>>, vector<16xf32>,
        tpu.vector_store %arg7[%parallel_loop3A_146, %parallel_loop3A_147, %parallel_loop3A_148], %parallel_loop3A_144 {strides = array<i32>} : memref<2x8x512xf32, #tpu.memory_space<vmem>>, vector<16xf32>,
        %parallel_loop3A_150 = arith.constant 5 : i32
        %parallel_loop3A_151 = arith.index_cast %and3A_55 : i32 to index
        %parallel_loop3A_152 = arith.index_cast %parallel_loop3A_150 : i32 to index
        %parallel_loop3A_153 = arith.index_cast %parallel_loop3A_94 : i32 to index
        %parallel_loop3A_154 = tpu.vector_load %arg6[%parallel_loop3A_151, %parallel_loop3A_152, %parallel_loop3A_153] {strides = array<i32>} : memref<2x8x512xi32, #tpu.memory_space<vmem>>, vector<16xi32>,
        %parallel_loop3A_155 = tpu.vector_load_idx %arg5[%parallel_loop3A_154] : memref<100000xf32, #tpu.memory_space<vmem>>[vector<16xi32>], vector<16xf32>,
        %parallel_loop3A_156 = arith.constant 5 : i32
        %parallel_loop3A_157 = arith.index_cast %and3A_55 : i32 to index
        %parallel_loop3A_158 = arith.index_cast %parallel_loop3A_156 : i32 to index
        %parallel_loop3A_159 = arith.index_cast %parallel_loop3A_94 : i32 to index
        %parallel_loop3A_160 = tpu.vector_load %arg7[%parallel_loop3A_157, %parallel_loop3A_158, %parallel_loop3A_159] {strides = array<i32>} : memref<2x8x512xf32, #tpu.memory_space<vmem>>, vector<16xf32>,
        tpu.vector_store %arg7[%parallel_loop3A_157, %parallel_loop3A_158, %parallel_loop3A_159], %parallel_loop3A_155 {strides = array<i32>} : memref<2x8x512xf32, #tpu.memory_space<vmem>>, vector<16xf32>,
        %parallel_loop3A_161 = arith.constant 6 : i32
        %parallel_loop3A_162 = arith.index_cast %and3A_55 : i32 to index
        %parallel_loop3A_163 = arith.index_cast %parallel_loop3A_161 : i32 to index
        %parallel_loop3A_164 = arith.index_cast %parallel_loop3A_94 : i32 to index
        %parallel_loop3A_165 = tpu.vector_load %arg6[%parallel_loop3A_162, %parallel_loop3A_163, %parallel_loop3A_164] {strides = array<i32>} : memref<2x8x512xi32, #tpu.memory_space<vmem>>, vector<16xi32>,
        %parallel_loop3A_166 = tpu.vector_load_idx %arg5[%parallel_loop3A_165] : memref<100000xf32, #tpu.memory_space<vmem>>[vector<16xi32>], vector<16xf32>,
        %parallel_loop3A_167 = arith.constant 6 : i32
        %parallel_loop3A_168 = arith.index_cast %and3A_55 : i32 to index
        %parallel_loop3A_169 = arith.index_cast %parallel_loop3A_167 : i32 to index
        %parallel_loop3A_170 = arith.index_cast %parallel_loop3A_94 : i32 to index
        %parallel_loop3A_171 = tpu.vector_load %arg7[%parallel_loop3A_168, %parallel_loop3A_169, %parallel_loop3A_170] {strides = array<i32>} : memref<2x8x512xf32, #tpu.memory_space<vmem>>, vector<16xf32>,
        tpu.vector_store %arg7[%parallel_loop3A_168, %parallel_loop3A_169, %parallel_loop3A_170], %parallel_loop3A_166 {strides = array<i32>} : memref<2x8x512xf32, #tpu.memory_space<vmem>>, vector<16xf32>,
        %parallel_loop3A_172 = arith.constant 7 : i32
        %parallel_loop3A_173 = arith.index_cast %and3A_55 : i32 to index
        %parallel_loop3A_174 = arith.index_cast %parallel_loop3A_172 : i32 to index
        %parallel_loop3A_175 = arith.index_cast %parallel_loop3A_94 : i32 to index
        %parallel_loop3A_176 = tpu.vector_load %arg6[%parallel_loop3A_173, %parallel_loop3A_174, %parallel_loop3A_175] {strides = array<i32>} : memref<2x8x512xi32, #tpu.memory_space<vmem>>, vector<16xi32>,
        %parallel_loop3A_177 = tpu.vector_load_idx %arg5[%parallel_loop3A_176] : memref<100000xf32, #tpu.memory_space<vmem>>[vector<16xi32>], vector<16xf32>,
        %parallel_loop3A_178 = arith.constant 7 : i32
        %parallel_loop3A_179 = arith.index_cast %and3A_55 : i32 to index
        %parallel_loop3A_180 = arith.index_cast %parallel_loop3A_178 : i32 to index
        %parallel_loop3A_181 = arith.index_cast %parallel_loop3A_94 : i32 to index
        %parallel_loop3A_182 = tpu.vector_load %arg7[%parallel_loop3A_179, %parallel_loop3A_180, %parallel_loop3A_181] {strides = array<i32>} : memref<2x8x512xf32, #tpu.memory_space<vmem>>, vector<16xf32>,
        tpu.vector_store %arg7[%parallel_loop3A_179, %parallel_loop3A_180, %parallel_loop3A_181], %parallel_loop3A_177 {strides = array<i32>} : memref<2x8x512xf32, #tpu.memory_space<vmem>>, vector<16xf32>,
      } {sc.loop_unroll_factor = 2 : i64, sc.parallel_access}
      %mul3A_80 = arith.constant 8 : i32
      %mul3A_81 = arith.muli %scan3A_54, %mul3A_80 : i32
      %dma_start3A_82 = arith.constant 0 : i32
      %dma_start3A_83 = arith.constant 0 : i32
      %dma_start3A_84 = tpu.memref_slice %arg7[%and3A_55, %dma_start3A_82, %dma_start3A_83] : memref<2x8x512xf32, #tpu.memory_space<vmem>> -> memref<1x8x512xf32, #tpu.memory_space<vmem>>
      %dma_start3A_85 = tpu.memref_squeeze %dma_start3A_84 : memref<1x8x512xf32, #tpu.memory_space<vmem>> -> memref<8x512xf32, #tpu.memory_space<vmem>>
      %dma_start3A_86 = tpu.memref_slice %arg4[%mul3A_81, %mul3A_2] : memref<200x16384xf32, #tpu.memory_space<hbm>> -> memref<8x512xf32, #tpu.memory_space<hbm>>
      %dma_start3A_87 = tpu.memref_slice %arg9[%and3A_55] : memref<2x!tpu.dma_semaphore, #tpu.memory_space<semaphore_mem>> -> memref<1x!tpu.dma_semaphore, #tpu.memory_space<semaphore_mem>>
      %dma_start3A_88 = tpu.memref_squeeze %dma_start3A_87 : memref<1x!tpu.dma_semaphore, #tpu.memory_space<semaphore_mem>> -> memref<!tpu.dma_semaphore, #tpu.memory_space<semaphore_mem>>
      %dma_start3A_89 = tpu.memref_slice %arg4[%mul3A_81, %mul3A_2] : memref<200x16384xf32, #tpu.memory_space<hbm>> -> memref<8x512xf32, #tpu.memory_space<hbm>>
      %dma_start3A_90 = arith.constant 0 : i32
      %dma_start3A_91 = arith.constant 0 : i32
      %dma_start3A_92 = tpu.memref_slice %arg7[%and3A_55, %dma_start3A_90, %dma_start3A_91] : memref<2x8x512xf32, #tpu.memory_space<vmem>> -> memref<1x8x512xf32, #tpu.memory_space<vmem>>
      %dma_start3A_93 = tpu.memref_squeeze %dma_start3A_92 : memref<1x8x512xf32, #tpu.memory_space<vmem>> -> memref<8x512xf32, #tpu.memory_space<vmem>>
      tpu.enqueue_dma source(%dma_start3A_93 : memref<8x512xf32, #tpu.memory_space<vmem>>) target(%dma_start3A_89 : memref<8x512xf32, #tpu.memory_space<hbm>>) target_semaphore(%dma_start3A_88 : memref<!tpu.dma_semaphore, #tpu.memory_space<semaphore_mem>>)
    }
    %scan3A_22 = arith.constant 25 : i32
    %dma_wait3A = arith.constant 1 : i32
    %dma_wait3A_23 = arith.constant 1 : i32
    %dma_wait3A_24 = arith.constant 0 : i32
    %dma_wait3A_25 = arith.constant 0 : i32
    %dma_wait3A_26 = tpu.memref_slice %arg7[%dma_wait3A, %dma_wait3A_24, %dma_wait3A_25] : memref<2x8x512xf32, #tpu.memory_space<vmem>> -> memref<1x8x512xf32, #tpu.memory_space<vmem>>
    %dma_wait3A_27 = tpu.memref_squeeze %dma_wait3A_26 : memref<1x8x512xf32, #tpu.memory_space<vmem>> -> memref<8x512xf32, #tpu.memory_space<vmem>>
    %dma_wait3A_28 = arith.constant 184 : i32
    %dma_wait3A_29 = tpu.memref_slice %arg4[%dma_wait3A_28, %mul3A_2] : memref<200x16384xf32, #tpu.memory_space<hbm>> -> memref<8x512xf32, #tpu.memory_space<hbm>>
    %dma_wait3A_30 = tpu.memref_slice %arg9[%dma_wait3A_23] : memref<2x!tpu.dma_semaphore, #tpu.memory_space<semaphore_mem>> -> memref<1x!tpu.dma_semaphore, #tpu.memory_space<semaphore_mem>>
    %dma_wait3A_31 = tpu.memref_squeeze %dma_wait3A_30 : memref<1x!tpu.dma_semaphore, #tpu.memory_space<semaphore_mem>> -> memref<!tpu.dma_semaphore, #tpu.memory_space<semaphore_mem>>
    %dma_wait3A_32 = arith.constant 184 : i32
    %dma_wait3A_33 = tpu.memref_slice %arg4[%dma_wait3A_32, %mul3A_2] : memref<200x16384xf32, #tpu.memory_space<hbm>> -> memref<8x512xf32, #tpu.memory_space<hbm>>
    %dma_wait3A_34 = arith.constant 0 : i32
    %dma_wait3A_35 = arith.constant 0 : i32
    %dma_wait3A_36 = tpu.memref_slice %arg7[%dma_wait3A, %dma_wait3A_34, %dma_wait3A_35] : memref<2x8x512xf32, #tpu.memory_space<vmem>> -> memref<1x8x512xf32, #tpu.memory_space<vmem>>
    %dma_wait3A_37 = tpu.memref_squeeze %dma_wait3A_36 : memref<1x8x512xf32, #tpu.memory_space<vmem>> -> memref<8x512xf32, #tpu.memory_space<vmem>>
    tpu.wait_dma2 semaphore(%dma_wait3A_31 : memref<!tpu.dma_semaphore, #tpu.memory_space<semaphore_mem>>) src(%dma_wait3A_37 : memref<8x512xf32, #tpu.memory_space<vmem>>) dst(%dma_wait3A_33 : memref<8x512xf32, #tpu.memory_space<hbm>>)
    %dma_wait3A_38 = arith.constant 0 : i32
    %dma_wait3A_39 = arith.constant 0 : i32
    %dma_wait3A_40 = arith.constant 0 : i32
    %dma_wait3A_41 = arith.constant 0 : i32
    %dma_wait3A_42 = tpu.memref_slice %arg7[%dma_wait3A_38, %dma_wait3A_40, %dma_wait3A_41] : memref<2x8x512xf32, #tpu.memory_space<vmem>> -> memref<1x8x512xf32, #tpu.memory_space<vmem>>
    %dma_wait3A_43 = tpu.memref_squeeze %dma_wait3A_42 : memref<1x8x512xf32, #tpu.memory_space<vmem>> -> memref<8x512xf32, #tpu.memory_space<vmem>>
    %dma_wait3A_44 = arith.constant 192 : i32
    %dma_wait3A_45 = tpu.memref_slice %arg4[%dma_wait3A_44, %mul3A_2] : memref<200x16384xf32, #tpu.memory_space<hbm>> -> memref<8x512xf32, #tpu.memory_space<hbm>>
    %dma_wait3A_46 = tpu.memref_slice %arg9[%dma_wait3A_39] : memref<2x!tpu.dma_semaphore, #tpu.memory_space<semaphore_mem>> -> memref<1x!tpu.dma_semaphore, #tpu.memory_space<semaphore_mem>>
    %dma_wait3A_47 = tpu.memref_squeeze %dma_wait3A_46 : memref<1x!tpu.dma_semaphore, #tpu.memory_space<semaphore_mem>> -> memref<!tpu.dma_semaphore, #tpu.memory_space<semaphore_mem>>
    %dma_wait3A_48 = arith.constant 192 : i32
    %dma_wait3A_49 = tpu.memref_slice %arg4[%dma_wait3A_48, %mul3A_2] : memref<200x16384xf32, #tpu.memory_space<hbm>> -> memref<8x512xf32, #tpu.memory_space<hbm>>
    %dma_wait3A_50 = arith.constant 0 : i32
    %dma_wait3A_51 = arith.constant 0 : i32
    %dma_wait3A_52 = tpu.memref_slice %arg7[%dma_wait3A_38, %dma_wait3A_50, %dma_wait3A_51] : memref<2x8x512xf32, #tpu.memory_space<vmem>> -> memref<1x8x512xf32, #tpu.memory_space<vmem>>
    %dma_wait3A_53 = tpu.memref_squeeze %dma_wait3A_52 : memref<1x8x512xf32, #tpu.memory_space<vmem>> -> memref<8x512xf32, #tpu.memory_space<vmem>>
    tpu.wait_dma2 semaphore(%dma_wait3A_47 : memref<!tpu.dma_semaphore, #tpu.memory_space<semaphore_mem>>) src(%dma_wait3A_53 : memref<8x512xf32, #tpu.memory_space<vmem>>) dst(%dma_wait3A_49 : memref<8x512xf32, #tpu.memory_space<hbm>>)
    return
  }
}

</mosaic_0001>

<sc_bundles>
// kernel: kernel.3.cloned.1.call-start
scs
__scs_entry_jumppad:
0x0: {  	(pc) =	sbr.rel $0x88, $3  }
0x1: {  	(tag) =	ssettag $0x0;
	lr =	simm.s32 $0x1  }
0x2: {  	[smem:$0x3F9F] =	sst lr;
	_ =	strace $0xD0000000  }
0x3: {  	_ = 	snop  }
0x4: {  	_ = 	snop  }
0x5: {  	_ = 	snop  }
0x6: {  	_ = 	snop  }
0x7: {  	_ = 	snop  }
__scs_overlays_trampoline_lowered:
0x8: {  	[smem:$0x3FAE] =	sst s0  }
0x9: {  	[smem:$0x3FAF] =	sst s1  }
0xa: {  	[smem:$0x3FB0] =	sst s2  }
0xb: {  	[smem:$0x3FB1] =	sst s3  }
0xc: {  	[smem:$0x3FB2] =	sst s4  }
0xd: {  	[smem:$0x3FB3] =	sst s5  }
0xe: {  	[smem:$0x3FB4] =	sst s6  }
0xf: {  	[smem:$0x3FB5] =	sst s7  }
0x10: {  	[smem:$0x3FB6] =	sst s8  }
0x11: {  	[smem:$0x3FB7] =	sst s9;
	s0 =	simm.s32 @!p0 $0x0  }
0x12: {  	s1 =	sld [smem:$0x3F9D];
	s0 =	simm.s32 @p0 $0x1  }
0x13: {  	[smem:$0x3FB8] =	sst s0;
	s0 =	simm.s32 @!p1 $0x0  }
0x14: {  	s2 =	sld [smem:$0x3F9C];
	s0 =	simm.s32 @p1 $0x1  }
0x15: {  	[smem:$0x3FB9] =	sst s0;
	s0 =	simm.s32 @!p2 $0x0  }
0x16: {  	s3 =	sld [smem:$0x3FDB];
	s0 =	simm.s32 @p2 $0x1  }
0x17: {  	s4 =	simm.s32 $0x1BF5;
	[smem:$0x3FBB] =	sst s0  }
0x18: {  	s0 =	sld [smem:$0x3F9E];
	_ =	swait.ge [sflag:s4], $0x0  }
0x19: {  	s7 =	sld [smem:$0x3F9F]  }
0x1a: {  	s8 =	sadd.s32 $0xFFFFE003, lr  }
0x1b: {  	s9 =	sadd.s32 $0xFFFFFEF7, lr;
	s5 =	simm.s32 $0xFFFFFFFF;
	p2 =	slt.u32 s8, $0xFFFFF086  }
0x1c: {  	p1 =	slt.u32 s9, $0xF7A;
	s5 =	simm.s32 @!p2 $0x0  }
0x1d: {  	s5 =	simm.s32 @p1 $0x1;
	p0 =	seq.s32 s7, s2  }
0x1e: {  	s7 =	smul.u32 @!p0 $0xF7A, s2;
	p2 =	seq.s32 @!p0 s5, $0x0  }
0x1f: {  	s9 =	smul.u32 $0xF7A, s1;
	s8 =	simm.s32 @!p0 $0x1BF5;
	p2 =	por !p2, p0  }
0x20: {  	[sflag:s8] =	ssyncset.s32 @!p0 $0xFFFFF086;
	s6 =	sadd.s32 @!p0 s3, s7;
	s7 =	simm.s32 @!p0 $0x108  }
0x21: {  	s3 =	sadd.s32 s3, s9;
	s6 =	sadd.s32 @!p0 $0x88, s6;
	s7 =	simm.s32 @p2 $0x1082  }
0x22: {  	[simem:s7], [sflag:s8] =	dma.local @!p0 [hbm:s6], $0xF7A  }
0x23: {  	s9 =	sor.u32 $0xD0000000, s2;
	s6 =	simm.s32 $0x108;
	_ =	swait.ge @!p0 [sflag:s8], $0x0  }
0x24: {  	s3 =	sadd.s32 $0x88, s3;
	s6 =	simm.s32 @!p1 $0x1082;
	[sflag:s4] =	ssyncset.s32 $0xFFFFF086  }
0x25: {  	[simem:s6], [sflag:s4] =	dma.local [hbm:s3], $0xF7A  }
0x26: {  	[smem:$0x3F9F] =	sst s1;
	(tag) =	ssettag s2;
	_ =	strace s9  }
0x27: {  	s1 =	sld [smem:$0x3FAF]  }
0x28: {  	s2 =	sld [smem:$0x3FB0]  }
0x29: {  	s4 =	sld [smem:$0x3FB2]  }
0x2a: {  	p0 =	seq.s32 s5, $0x0;
	s5 =	sld [smem:$0x3FB3]  }
0x2b: {  	s6 =	sld [smem:$0x3FB4]  }
0x2c: {  	s7 =	sld [smem:$0x3FB5]  }
0x2d: {  	s3 =	simm.s32 $0x108;
	s8 =	sld [smem:$0x3FB6]  }
0x2e: {  	s3 =	simm.s32 @!p0 $0x1082;
	s9 =	sld [smem:$0x3FB7]  }
0x2f: {  	lr =	sadd.s32 s0, s3;
	s0 =	sld [smem:$0x3FAE]  }
0x30: {  	s3 =	sld [smem:$0x3FB1]  }
0x31: {  	[smem:$0x3FBA] =	sst s10  }
0x32: {  	s10 =	sld [smem:$0x3FB8];
	_ =	sdelay $0x3  }
0x33: {  	p0 =	seq.s32 s10, $0x1;
	s10 =	sld [smem:$0x3FBA];
	_ =	sdelay $0x3  }
0x34: {  	[smem:$0x3FBA] =	sst s10  }
0x35: {  	s10 =	sld [smem:$0x3FB9];
	_ =	sdelay $0x3  }
0x36: {  	p1 =	seq.s32 s10, $0x1;
	s10 =	sld [smem:$0x3FBA];
	_ =	sdelay $0x3  }
0x37: {  	[smem:$0x3FBA] =	sst s10  }
0x38: {  	s10 =	sld [smem:$0x3FBB]  }
0x39: {  	_ = 	snop;
	(pc) =	sbr.ind lr, $3  }
0x3a: {  	_ = 	snop  }
0x3b: {  	_ = 	snop  }
0x3c: {  	p2 =	seq.s32 s10, $0x1;
	s10 =	sld [smem:$0x3FBA]  }
0x3d: {  	_ =	shalt  }
0x3e: {  	_ =	shalt  }
0x3f: {  	_ =	shalt  }
0x40: {  	_ =	shalt  }
0x41: {  	_ =	shalt  }
0x42: {  	_ =	shalt  }
0x43: {  	_ =	shalt  }
0x44: {  	_ =	shalt  }
0x45: {  	_ =	shalt  }
0x46: {  	_ =	shalt  }
0x47: {  	_ =	shalt  }
0x48: {  	_ =	shalt  }
0x49: {  	_ =	shalt  }
0x4a: {  	_ =	shalt  }
0x4b: {  	_ =	shalt  }
0x4c: {  	_ =	shalt  }
0x4d: {  	_ =	shalt  }
0x4e: {  	_ =	shalt  }
0x4f: {  	_ =	shalt  }
0x50: {  	_ =	shalt  }
0x51: {  	_ =	shalt  }
0x52: {  	_ =	shalt  }
0x53: {  	_ =	shalt  }
0x54: {  	_ =	shalt  }
0x55: {  	_ =	shalt  }
0x56: {  	_ =	shalt  }
0x57: {  	_ =	shalt  }
0x58: {  	_ =	shalt  }
0x59: {  	_ =	shalt  }
0x5a: {  	_ =	shalt  }
0x5b: {  	_ =	shalt  }
0x5c: {  	_ =	shalt  }
0x5d: {  	_ =	shalt  }
0x5e: {  	_ =	shalt  }
0x5f: {  	_ =	shalt  }
0x60: {  	_ =	shalt  }
0x61: {  	_ =	shalt  }
0x62: {  	_ =	shalt  }
0x63: {  	_ =	shalt  }
0x64: {  	_ =	shalt  }
0x65: {  	_ =	shalt  }
0x66: {  	_ =	shalt  }
0x67: {  	_ =	shalt  }
0x68: {  	_ =	shalt  }
0x69: {  	_ =	shalt  }
0x6a: {  	_ =	shalt  }
0x6b: {  	_ =	shalt  }
0x6c: {  	_ =	shalt  }
0x6d: {  	_ =	shalt  }
0x6e: {  	_ =	shalt  }
0x6f: {  	_ =	shalt  }
0x70: {  	_ =	shalt  }
0x71: {  	_ =	shalt  }
0x72: {  	_ =	shalt  }
0x73: {  	_ =	shalt  }
0x74: {  	_ =	shalt  }
0x75: {  	_ =	shalt  }
0x76: {  	_ =	shalt  }
0x77: {  	_ =	shalt  }
0x78: {  	_ =	shalt  }
0x79: {  	_ =	shalt  }
0x7a: {  	_ =	shalt  }
0x7b: {  	_ =	shalt  }
0x7c: {  	_ =	shalt  }
0x7d: {  	_ =	shalt  }
0x7e: {  	_ =	shalt  }
0x7f: {  	_ =	shalt  }
0x80: {  	_ =	shalt  }
0x81: {  	_ =	shalt  }
0x82: {  	_ =	shalt  }
0x83: {  	_ =	shalt  }
0x84: {  	_ =	shalt  }
0x85: {  	_ =	shalt  }
0x86: {  	_ =	shalt  }
0x87: {  	_ =	shalt  }
.Lfunc_end0:
.L_simem_size_0:
called_computation_lowered:
.L_overlay_start_0:
0x88: {  	s2 =	sld [smem:$0x3FD9]  }
0x89: {  	s3 =	sld [smem:$0x3FFE];
	_ =	sdelay $0x1  }
0x8a: {  	s1 =	srdreg.scid  }
0x8b: {  	s0 =	sand.u32 $0x1, s1  }
0x8c: {  	s18 =	sshll.u32 s0, $0xA;
	s2 =	sadd.s32 s3, s2  }
0x8d: {  	s2 =	sadd.s32 s2, s18  }
0x8e: {  	[smem:$0x3FC6] =	sst s2  }
0x8f: {  	_ = 	snop  }
0x90: {  	s2 =	sld [smem:$0x3FC9]  }
0x91: {  	s19 =	sld [smem:$0x3FC8]  }
0x92: {  	s4 =	sld [smem:$0x3FD0];
	(tm) =	ssettm $0x1  }
0x93: {  	s5 =	sld [smem:$0x3FFB];
	_ =	sdelay $0x3  }
0x94: {  	_ =	strace s5  }
0x95: {  	s5 =	sld [smem:$0x3FFC];
	_ =	sdelay $0x3  }
0x96: {  	_ =	strace s5  }
0x97: {  	s5 =	sld [smem:$0x3FFD];
	_ =	sdelay $0x3  }
0x98: {  	_ =	strace s5  }
0x99: {  	_ =	strace $0x8FFFFFFF  }
0x9a: {  	s20 =	sld [smem:$0x3FDB];
	_ =	sdelay $0x1  }
0x9b: {  	s6 =	simm.s32 $_scs_section_size  }
0x9c: {  	s7 =	simm.s32 $_size__tile_overlayer_lowered;
	s8 =	simm.s32 $_tile_overlayer_lowered  }
0x9d: {  	s23 =	simm.s32 $0x1BFF;
	s22 =	sshll.u32 s8, $0x1;
	s5 =	sadd.s32 s6, s20  }
0x9e: {  	s9 =	simm.s32 $0x0;
	s21 =	sshll.u32 s7, $0x1;
	s7 =	sadd.s32 s22, s5  }
0x9f: {  	[timem:s9], [sflag:s23] =	dma.local [hbm:s7], s21  }
0xa0: {  	_ =	swait.ge [sflag:s23], s21  }
0xa1: {  	s6 =	ssub.s32 $0x0, s21;
	[sflag:s23] =	ssyncset.done $0x0  }
0xa2: {  	[sflag:s23] =	ssyncadd.s32 s6;
	_ =	sdelay $0x1  }
0xa3: {  	s24 =	simm.s32 $0x1B8B  }
0xa4: {  	_ =	swait.ge [sflag:s24], $0x1  }
0xa5: {  	[sflag:s24] =	ssyncset.done $0x0  }
0xa6: {  	s25 =	simm.s32 $0x1B8E;
	[sflag:s24] =	ssyncadd.s32 $0xFFFFFFFF  }
0xa7: {  	s26 =	simm.s32 $execute0_lowered;
	[smem:$0x3FD2] =	sst s25  }
0xa8: {  	s6 =	sshll.u32 s26, $0x1;
	_ =	strace $0x80000046;
	[dreg:$0x1] =	wrdreg $0xFFFFFFFF  }
0xa9: {  	s28 =	simm.s32 $_size_execute0_lowered;
	s5 =	sadd.s32 s5, s6;
	[dreg:$0x0] =	wrdreg $0x0  }
0xaa: {  	s6 =	sshll.u32 s28, $0x1;
	[dreg:$0x2] =	wrdreg s5  }
0xab: {  	[dreg:$0x3] =	wrdreg s6  }
0xac: {  	[dreg:$0x4] =	wrdreg $0xC0  }
0xad: {  	_ =	task [dreg:s9], $0x5FFFF  }
0xae: {  	[dreg:$0x1] =	wrdreg $0xFFFFFFFF  }
0xaf: {  	[dreg:$0x0] =	wrdreg $0x60  }
0xb0: {  	[dreg:$0x2] =	wrdreg s2  }
0xb1: {  	[dreg:$0x3] =	wrdreg s19  }
0xb2: {  	[dreg:$0x4] =	wrdreg s4  }
0xb3: {  	[dreg:$0x5] =	wrdreg $0x9  }
0xb4: {  	_ =	task.clear_ibuf [dreg:s9], $0x6FFFF;
	_ =	strace $0x90000046  }
0xb5: {  	s29 =	simm.s32 $0x9;
	_ =	strace $0x80000048  }
0xb6: {  	_ =	swait.ge [sflag:s29], $0x1  }
0xb7: {  	[sflag:s29] =	ssyncadd.s32 $0xFFFFFFFF  }
0xb8: {  	_ =	strace $0x90000048  }
0xb9: {  	_ =	sfence  }
0xba: {  	s30 =	sld [smem:$0x0];
	_ =	sdelay $0x2  }
0xbb: {  	s31 =	sshll.u32 s1, $0xD;
	s1 =	sshrl.u32 s1, $0x2  }
0xbc: {  	s3 =	sand.u32 $0x4000, s31;
	s1 =	sadd.s32 s1, s30  }
0xbd: {  	s0 =	sor.u32 s3, s0;
	s1 =	sshll.u32 s1, $0x11  }
0xbe: {  	s0 =	sor.u32 s1, s0  }
0xbf: {  	s0 =	sadd.s32 $0x8F2B, s0  }
0xc0: {  	[sflag:s0] =	ssyncadd.remote.s32 $0x1  }
0xc1: {  	_ =	sfence.sel $0xFFFF  }
0xc2: {  	[dreg:$0x0] =	wrdreg $0xFFFFFFFF;
	(pc) =	sbr.abs _section_cstart, $3  }
0xc3: {  	[dreg:$0x1] =	wrdreg $0xFFFFFFFF  }
0xc4: {  	_ =	task.clear_ibuf [dreg:s9], $0x2FFFF;
	_ =	strace $0x9FFFFFFF  }
0xc5: {  	(tm) =	ssettm $0x7FFFFFFF  }
tec
execute0_lowered:
.L_overlay_start_1:
0x0: {  	(tag) =	ssettag $0x1  }
0x1: {  	s2 =	rddreg [dreg:$0x0]  }
0x2: {  	s3 =	rddreg [dreg:$0x1];
	s0 =	srdreg.scid  }
0x3: {  	s4 =	rddreg [dreg:$0x2];
	s1 =	stileid.u32;
	s5 =	simm.s32 $0x0  }
0x4: {  	s10 =	simm.s32 $0x5;
	s11 =	simm.s32 $0x4;
	s12 =	simm.s32 $0x3  }
0x5: {  	s13 =	simm.s32 $0x0;
	s6 =	sand.u32 $0x1, s0;
	s0 =	rddreg [dreg:$0x3]  }
0x6: {  	s7 =	sshll.u32 s1, $0xD;
	s8 =	sshll.u32 s6, $0xC;
	s9 =	ssub.s32 $0x2, s6  }
0x7: {  	[smem:$0x7FF] =	sst s5;
	s6 =	sor.u32 s8, s7;
	s31 =	sshrl.u32 s9, $0x1  }
0x8: {  	_ =	strace $0x80000047;
	s8 =	sshrl.u32 s6, $0x3;
	s9 =	ssub.s32 s9, s31  }
0x9: {  	s7 =	sadd.s32 s2, s8;
	s8 =	smax.u32 s9, $0x1;
	s9 =	simm.s32 $0x18700  }
.LBB2_1:
0xa: {  	[tilespmem:s9], [sflag:$0x1] =	stream.linear.gather [hbm4b:s7+s5], $0x1000, $0x38;
	[tilespmem:$0x1C700] =	vst v63  }
0xb: {  	_ = 	snop  }
0xc: {  	[tilespmem:s5], [sflag:$0x5] =	stream.linear.gather [hbm4b:s3+s5], $0x18700, $0x38;
	[tilespmem:$0x1C700] =	vst v63  }
0xd: {  	_ =	swait.ge [sflag:s10], $0x18700  }
0xe: {  	[sflag:s10] =	ssyncset.done $0x0  }
0xf: {  	p0 =	por $0x0, $0x0;
	s16 =	simm.s32 $0x0;
	[sflag:s10] =	ssyncadd.s32 $0xFFFE7900  }
.LBB2_2:
0x10: {  	s14 =	sadd.s32 $0x1, s16;
	p1 =	seq.s32 s16, $0x18  }
0x11: {  	s15 =	sand.u32 $0x1, s16;
	s17 =	sshll.u32 @!p1 s14, $0x11  }
0x12: {  	s18 =	sxor.u32 @!p1 $0x1, s15;
	s20 =	simm.s32 @!p1 $0x0;
	s17 =	sor.u32 @!p1 s6, s17  }
0x13: {  	s28 =	sadd.s32 $0x1, s15;
	s19 =	sshll.u32 @!p1 s18, $0xC;
	s17 =	sshrl.u32 @!p1 s17, $0x3  }
0x14: {  	s18 =	sadd.s32 @!p1 $0x1, s18;
	s19 =	sor.u32 @!p1 $0x18700, s19;
	s17 =	sadd.s32 @!p1 s2, s17  }
0x15: {  	[tilespmem:s19], [sflag:s18] =	stream.linear.gather @!p1 [hbm4b:s17+s20], $0x1000, $0x38;
	[tilespmem:$0x1C700] =	vst v63  }
0x16: {  	_ =	swait.ge [sflag:s28], $0x1000  }
0x17: {  	p1 =	slt.u32 s16, $0x2;
	[sflag:s28] =	ssyncset.done $0x0  }
0x18: {  	s29 =	simm.s32 $0x0;
	s18 =	sadd.s32 @!p1 $0x3, s15;
	[sflag:s28] =	ssyncadd.s32 $0xFFFFF000  }
0x19: {  	s30 =	sand.u32 $0xC00, s29;
	s17 =	sshll.u32 s15, $0xC;
	_ =	swait.ge @!p1 [sflag:s18], $0x1000  }
0x1a: {  	s21 =	sand.u32 $0x60, s29;
	s20 =	sor.u32 s17, s30;
	[sflag:s18] =	ssyncset.done @!p1 $0x0  }
0x1b: {  	[sflag:s18] =	ssyncadd.s32 @!p1 $0xFFFFF000;
	s18 =	sor.u32 s21, s20  }
0x1c: {  	v0 =	vld [tilespmem:s18+$0x18700];
	_ =	sdelay $0x6  }
0x1d: {  	v1 =	vld [tilespmem:s18+$0x18780]  }
0x1e: {  	v0 =	vld.idx.msk [tilespmem:v0+s5+$0x0], $0xffff;
	_ =	sdelay $0x2  }
0x1f: {  	v2 =	vld [tilespmem:s18+$0x18710];
	_ =	sdelay $0x1  }
0x20: {  	[tilespmem:s18+$0x1A700] =	vst v0;
	v0 =	vld [tilespmem:s18+$0x18800]  }
0x21: {  	s20 =	simm.s32 $0x1;
	v3 =	vld [tilespmem:s18+$0x18790]  }
0x22: {  	s20 =	simm.s32 @!p0 $0x0;
	v1 =	vld.idx.msk [tilespmem:v1+s5+$0x0], $0xffff  }
0x23: {  	s22 =	simm.s32 $0x100;
	s19 =	sand.u32 $0xFFFFFC00, s29;
	v4 =	vld [tilespmem:s18+$0x18890];
	s20 =	sshll.u32 s20, $0xC  }
0x24: {  	s25 =	simm.s32 $0x20;
	s24 =	sand.u32 $0xC00, s22;
	v5 =	vld [tilespmem:s18+$0x18910];
	s19 =	sadd.s32 s19, s20  }
0x25: {  	s24 =	sor.u32 s17, s24;
	v7 =	vld [tilespmem:s18+$0x18A10];
	s23 =	sadd.s32 $0x0, s19;
	s19 =	sand.u32 $0x60, s25  }
0x26: {  	s19 =	sor.u32 s19, s24;
	v2 =	vld.idx.msk [tilespmem:v2+s5+$0x0], $0xffff  }
0x27: {  	v6 =	vld [tilespmem:s19+$0x18700];
	[tilespmem:s18+$0x1A780] =	vst v1  }
0x28: {  	v0 =	vld.idx.msk [tilespmem:v0+s5+$0x0], $0xffff  }
0x29: {  	v9 =	vld [tilespmem:s19+$0x18780]  }
0x2a: {  	v1 =	vld [tilespmem:s18+$0x18810]  }
0x2b: {  	v10 =	vld [tilespmem:s19+$0x18790];
	[tilespmem:s18+$0x1A710] =	vst v2  }
0x2c: {  	v2 =	vld.idx.msk [tilespmem:v3+s5+$0x0], $0xffff  }
0x2d: {  	s26 =	sand.u32 $0xFFFFFC00, s22;
	s25 =	simm.s32 $0x200;
	s31 =	sor.u32 $0x180, s23;
	v11 =	vld [tilespmem:s19+$0x18810];
	[tilespmem:s18+$0x1A800] =	vst v0  }
0x2e: {  	s29 =	simm.s32 $0x40;
	s21 =	sadd.s32 s26, s20;
	s26 =	sand.u32 $0xC00, s25;
	v0 =	vld [tilespmem:s31+$0x18700]  }
0x2f: {  	s22 =	sadd.s32 $0x20, s21;
	s21 =	sand.u32 $0x60, s29;
	v12 =	vld [tilespmem:s19+$0x18890];
	s26 =	sor.u32 s17, s26  }
0x30: {  	v14 =	vld [tilespmem:s19+$0x18990];
	s21 =	sor.u32 s21, s26  }
0x31: {  	v59 =	vld [tilespmem:s21+$0x18710];
	[tilespmem:s18+$0x1A790] =	vst v2  }
0x32: {  	v1 =	vld.idx.msk [tilespmem:v1+s5+$0x0], $0xffff  }
0x33: {  	v6 =	vld.idx.msk [tilespmem:v6+s5+$0x0], $0xffff  }
0x34: {  	v15 =	vld [tilespmem:s21+$0x18810]  }
0x35: {  	v2 =	vld [tilespmem:s19+$0x18710]  }
0x36: {  	v8 =	vld.idx.msk [tilespmem:v0+s5+$0x0], $0xffff  }
0x37: {  	[tilespmem:s18+$0x1A810] =	vst v1;
	v1 =	vld [tilespmem:s19+$0x18800]  }
0x38: {  	[tilespmem:s19+$0x1A700] =	vst v6;
	v4 =	vld.idx.msk [tilespmem:v4+s5+$0x0], $0xffff  }
0x39: {  	v6 =	vld.idx.msk [tilespmem:v9+s5+$0x0], $0xffff  }
0x3a: {  	v16 =	vld [tilespmem:s21+$0x18780]  }
0x3b: {  	v61 =	vld [tilespmem:s21+$0x18800];
	[tilespmem:s31+$0x1A700] =	vst v8  }
0x3c: {  	v8 =	vld [tilespmem:s18+$0x18900]  }
0x3d: {  	v2 =	vld.idx.msk [tilespmem:v2+s5+$0x0], $0xffff;
	[tilespmem:s18+$0x1A890] =	vst v4  }
0x3e: {  	[tilespmem:s19+$0x1A780] =	vst v6;
	v5 =	vld.idx.msk [tilespmem:v5+s5+$0x0], $0xffff  }
0x3f: {  	v4 =	vld.idx.msk [tilespmem:v1+s5+$0x0], $0xffff  }
0x40: {  	v3 =	vld [tilespmem:s18+$0x18990]  }
0x41: {  	v9 =	vld [tilespmem:s19+$0x18910]  }
0x42: {  	[tilespmem:s19+$0x1A710] =	vst v2;
	v13 =	vld [tilespmem:s18+$0x18980]  }
0x43: {  	[tilespmem:s18+$0x1A910] =	vst v5;
	v5 =	vld [tilespmem:s21+$0x18700]  }
0x44: {  	s28 =	sor.u32 $0x180, s22;
	[tilespmem:s19+$0x1A800] =	vst v4;
	v2 =	vld.idx.msk [tilespmem:v8+s5+$0x0], $0xffff  }
0x45: {  	v4 =	vld [tilespmem:s28+$0x18700]  }
0x46: {  	v0 =	vld [tilespmem:s18+$0x18A90]  }
0x47: {  	v6 =	vld [tilespmem:s18+$0x18A00]  }
0x48: {  	v8 =	vld.idx.msk [tilespmem:v10+s5+$0x0], $0xffff  }
0x49: {  	v1 =	vld [tilespmem:s19+$0x18A10];
	[tilespmem:s18+$0x1A900] =	vst v2  }
0x4a: {  	v10 =	vld.idx.msk [tilespmem:v13+s5+$0x0], $0xffff  }
0x4b: {  	v17 =	vld.idx.msk [tilespmem:v5+s5+$0x0], $0xffff  }
0x4c: {  	v5 =	vld [tilespmem:s21+$0x18910]  }
0x4d: {  	[tilespmem:s19+$0x1A790] =	vst v8;
	v4 =	vld.idx.msk [tilespmem:v4+s5+$0x0], $0xffff  }
0x4e: {  	v8 =	vld.idx.msk [tilespmem:v11+s5+$0x0], $0xffff  }
0x4f: {  	v2 =	vld [tilespmem:s19+$0x18A90];
	[tilespmem:s18+$0x1A980] =	vst v10  }
0x50: {  	v6 =	vld.idx.msk [tilespmem:v6+s5+$0x0], $0xffff  }
0x51: {  	v11 =	vld.idx.msk [tilespmem:v3+s5+$0x0], $0xffff  }
0x52: {  	[tilespmem:s28+$0x1A700] =	vst v4;
	v10 =	vld [tilespmem:s21+$0x18790]  }
0x53: {  	[tilespmem:s19+$0x1A810] =	vst v8;
	v8 =	vld.idx.msk [tilespmem:v59+s5+$0x0], $0xffff  }
0x54: {  	v60 =	vld [tilespmem:s19+$0x18900]  }
0x55: {  	s23 =	sor.u32 $0x380, s23;
	v12 =	vld.idx.msk [tilespmem:v12+s5+$0x0], $0xffff;
	[tilespmem:s18+$0x1AA00] =	vst v6  }
0x56: {  	v6 =	vld [tilespmem:s23+$0x18700]  }
0x57: {  	v3 =	vld [tilespmem:s21+$0x18890];
	[tilespmem:s21+$0x1A700] =	vst v17  }
0x58: {  	v16 =	vld.idx.msk [tilespmem:v16+s5+$0x0], $0xffff  }
0x59: {  	v4 =	vld [tilespmem:s21+$0x18990]  }
0x5a: {  	v18 =	vld [tilespmem:s19+$0x18980];
	[tilespmem:s19+$0x1A890] =	vst v12  }
0x5b: {  	[tilespmem:s21+$0x1A710] =	vst v8;
	v9 =	vld.idx.msk [tilespmem:v9+s5+$0x0], $0xffff  }
0x5c: {  	v10 =	vld.idx.msk [tilespmem:v10+s5+$0x0], $0xffff  }
0x5d: {  	v62 =	vld.idx.msk [tilespmem:v60+s5+$0x0], $0xffff  }
0x5e: {  	[tilespmem:s18+$0x1A990] =	vst v11;
	v8 =	vld.idx.msk [tilespmem:v6+s5+$0x0], $0xffff  }
0x5f: {  	v7 =	vld.idx.msk [tilespmem:v7+s5+$0x0], $0xffff;
	[tilespmem:s21+$0x1A780] =	vst v16  }
0x60: {  	v63 =	vld.idx.msk [tilespmem:v61+s5+$0x0], $0xffff;
	[tilespmem:s19+$0x1A910] =	vst v9  }
0x61: {  	[tilespmem:s21+$0x1A790] =	vst v10;
	v9 =	vld.idx.msk [tilespmem:v14+s5+$0x0], $0xffff  }
0x62: {  	s30 =	sand.u32 $0xFFFFFC00, s25;
	[tilespmem:s19+$0x1A900] =	vst v62;
	v10 =	vld.idx.msk [tilespmem:v15+s5+$0x0], $0xffff  }
0x63: {  	s31 =	sadd.s32 s30, s20;
	[tilespmem:s23+$0x1A700] =	vst v8;
	v8 =	vld [tilespmem:s19+$0x18A00]  }
0x64: {  	s25 =	sadd.s32 $0x40, s31;
	v11 =	vld.idx.msk [tilespmem:v18+s5+$0x0], $0xffff  }
0x65: {  	s24 =	simm.s32 $0x300;
	s26 =	sor.u32 $0x180, s25;
	[tilespmem:s21+$0x1A800] =	vst v63;
	v6 =	vld [tilespmem:s21+$0x18A10];
	s23 =	simm.s32 $0x60  }
.LBB2_3:
0x66: {  	s28 =	sand.u32 $0xC00, s24;
	p1 =	slt.u32 s23, $0x1E0;
	v12 =	vld [tilespmem:s26+$0x18700]  }
0x67: {  	s29 =	sand.u32 $0x60, s23;
	s28 =	sor.u32 s17, s28;
	v13 =	vld [tilespmem:s21+$0x18A90];
	[tilespmem:s18+$0x1AA10] =	vst v7  }
0x68: {  	s28 =	sor.u32 s29, s28;
	[tilespmem:s21+$0x1A810] =	vst v10;
	v7 =	vld.idx.msk [tilespmem:v0+s5+$0x0], $0xffff;
	v0 =	vmov v2  }
0x69: {  	v10 =	vld [tilespmem:s28+$0x18700]  }
0x6a: {  	v14 =	vld [tilespmem:s28+$0x18710];
	[tilespmem:s19+$0x1A980] =	vst v11  }
0x6b: {  	v8 =	vld.idx.msk [tilespmem:v8+s5+$0x0], $0xffff;
	[tilespmem:s19+$0x1A990] =	vst v9  }
0x6c: {  	v9 =	vld [tilespmem:s28+$0x18790];
	v2 =	vmov v13  }
0x6d: {  	v11 =	vld [tilespmem:s28+$0x18810]  }
0x6e: {  	v12 =	vld.idx.msk [tilespmem:v12+s5+$0x0], $0xffff;
	[tilespmem:s18+$0x1AA90] =	vst v7;
	s18 =	smov.u32 s19;
	s19 =	smov.u32 s21;
	s21 =	smov.u32 s28  }
0x6f: {  	v7 =	vld [tilespmem:s21+$0x18890]  }
0x70: {  	v13 =	vld [tilespmem:s21+$0x18780]  }
0x71: {  	s28 =	sor.u32 $0x380, s22;
	s22 =	smov.u32 s25;
	v10 =	vld.idx.msk [tilespmem:v10+s5+$0x0], $0xffff;
	[tilespmem:s18+$0x1AA00] =	vst v8  }
0x72: {  	v8 =	vld [tilespmem:s28+$0x18700]  }
0x73: {  	v14 =	vld.idx.msk [tilespmem:v14+s5+$0x0], $0xffff  }
0x74: {  	[tilespmem:s26+$0x1A700] =	vst v12;
	v12 =	vld.idx.msk [tilespmem:v3+s5+$0x0], $0xffff;
	v3 =	vmov v7  }
0x75: {  	v7 =	vld [tilespmem:s19+$0x18900]  }
0x76: {  	v15 =	vld [tilespmem:s21+$0x18910]  }
0x77: {  	[tilespmem:s21+$0x1A700] =	vst v10;
	v10 =	vld [tilespmem:s21+$0x18800]  }
0x78: {  	v13 =	vld.idx.msk [tilespmem:v13+s5+$0x0], $0xffff  }
0x79: {  	[tilespmem:s21+$0x1A710] =	vst v14;
	v14 =	vld [tilespmem:s21+$0x18990]  }
0x7a: {  	[tilespmem:s19+$0x1A890] =	vst v12;
	v8 =	vld.idx.msk [tilespmem:v8+s5+$0x0], $0xffff  }
0x7b: {  	v9 =	vld.idx.msk [tilespmem:v9+s5+$0x0], $0xffff  }
0x7c: {  	v12 =	vld [tilespmem:s19+$0x18980]  }
0x7d: {  	v16 =	vld.idx.msk [tilespmem:v7+s5+$0x0], $0xffff  }
0x7e: {  	[tilespmem:s21+$0x1A780] =	vst v13;
	v13 =	vld.idx.msk [tilespmem:v5+s5+$0x0], $0xffff;
	v5 =	vmov v15  }
0x7f: {  	v15 =	vld.idx.msk [tilespmem:v10+s5+$0x0], $0xffff  }
0x80: {  	v17 =	vld [tilespmem:s21+$0x18A10];
	[tilespmem:s28+$0x1A700] =	vst v8  }
.Ltmp0:
0x81: {  	[tilespmem:s21+$0x1A790] =	vst v9;
	v7 =	vld.idx.msk [tilespmem:v1+s5+$0x0], $0xffff;
	v1 =	vmov v6;
	(pc) =	sbr.rel @p1 .LBB2_3-.Ltmp0, $4  }
0x82: {  	s25 =	sand.u32 $0xFFFFFC00, s24;
	v10 =	vld.idx.msk [tilespmem:v11+s5+$0x0], $0xffff  }
0x83: {  	s25 =	sadd.s32 s25, s20;
	[tilespmem:s19+$0x1A900] =	vst v16;
	v8 =	vld [tilespmem:s19+$0x18A00]  }
0x84: {  	s25 =	sadd.s32 s25, s23;
	v11 =	vld.idx.msk [tilespmem:v12+s5+$0x0], $0xffff;
	[tilespmem:s19+$0x1A910] =	vst v13  }
0x85: {  	s24 =	sadd.s32 $0x100, s24;
	s23 =	sadd.s32 $0x20, s23;
	s26 =	sor.u32 $0x180, s25;
	[tilespmem:s21+$0x1A800] =	vst v15;
	v9 =	vld.idx.msk [tilespmem:v4+s5+$0x0], $0xffff;
	v4 =	vmov v14;
	v6 =	vmov v17  }
0x86: {  	v12 =	vld [tilespmem:s26+$0x18700];
	_ =	sdelay $0x7  }
0x87: {  	v12 =	vld.idx.msk [tilespmem:v12+s5+$0x0], $0xffff;
	_ =	sdelay $0x4  }
0x88: {  	[tilespmem:s26+$0x1A700] =	vst v12  }
0x89: {  	v12 =	vld [tilespmem:s21+$0x18900];
	_ =	sdelay $0x5  }
0x8a: {  	v13 =	vld [tilespmem:s21+$0x18980];
	_ =	sdelay $0x1  }
0x8b: {  	[tilespmem:s21+$0x1A810] =	vst v10;
	v12 =	vld.idx.msk [tilespmem:v12+s5+$0x0], $0xffff  }
0x8c: {  	v3 =	vld.idx.msk [tilespmem:v3+s5+$0x0], $0xffff;
	_ =	sdelay $0x2  }
0x8d: {  	v58 =	vld [tilespmem:s21+$0x18A00]  }
0x8e: {  	[tilespmem:s21+$0x1A900] =	vst v12  }
0x8f: {  	[tilespmem:s21+$0x1A890] =	vst v3;
	v12 =	vld.idx.msk [tilespmem:v13+s5+$0x0], $0xffff  }
0x90: {  	v3 =	vld.idx.msk [tilespmem:v5+s5+$0x0], $0xffff;
	_ =	sdelay $0x1  }
0x91: {  	[tilespmem:s19+$0x1A980] =	vst v11  }
0x92: {  	v59 =	vld.idx.msk [tilespmem:v8+s5+$0x0], $0xffff  }
0x93: {  	[tilespmem:s21+$0x1A980] =	vst v12  }
0x94: {  	[tilespmem:s21+$0x1A910] =	vst v3;
	v60 =	vld.idx.msk [tilespmem:v58+s5+$0x0], $0xffff  }
0x95: {  	v3 =	vld.idx.msk [tilespmem:v4+s5+$0x0], $0xffff;
	_ =	sdelay $0x1  }
0x96: {  	v14 =	vld [tilespmem:s21+$0x18A90];
	s20 =	sor.u32 $0x380, s22;
	[tilespmem:s19+$0x1AA00] =	vst v59  }
0x97: {  	[tilespmem:s19+$0x1A990] =	vst v9;
	v61 =	vld [tilespmem:s20+$0x18700]  }
0x98: {  	s31 =	sor.u32 $0x380, s25;
	v1 =	vld.idx.msk [tilespmem:v1+s5+$0x0], $0xffff;
	[tilespmem:s21+$0x1AA00] =	vst v60  }
0x99: {  	[tilespmem:s21+$0x1A990] =	vst v3;
	v62 =	vld [tilespmem:s31+$0x18700]  }
0x9a: {  	v3 =	vld.idx.msk [tilespmem:v6+s5+$0x0], $0xffff;
	_ =	sdelay $0x1  }
0x9b: {  	[tilespmem:s18+$0x1AA10] =	vst v7  }
0x9c: {  	v0 =	vld.idx.msk [tilespmem:v0+s5+$0x0], $0xffff;
	[tilespmem:s19+$0x1AA10] =	vst v1  }
0x9d: {  	v1 =	vld.idx.msk [tilespmem:v2+s5+$0x0], $0xffff  }
0x9e: {  	v4 =	vld.idx.msk [tilespmem:v61+s5+$0x0], $0xffff;
	[tilespmem:s21+$0x1AA10] =	vst v3  }
0x9f: {  	v3 =	vld.idx.msk [tilespmem:v14+s5+$0x0], $0xffff  }
0xa0: {  	v63 =	vld.idx.msk [tilespmem:v62+s5+$0x0], $0xffff  }
0xa1: {  	[tilespmem:s18+$0x1AA90] =	vst v0  }
0xa2: {  	s16 =	sshll.u32 s16, $0x11;
	p1 =	sne.s32 s14, $0x19;
	[tilespmem:s19+$0x1AA90] =	vst v1  }
.Ltmp1:
0xa3: {  	s16 =	sor.u32 s6, s16;
	[tilespmem:s20+$0x1A700] =	vst v4;
	(pc) =	sbr.rel @p1 .LBB2_2-.Ltmp1, $4  }
0xa4: {  	s16 =	sshrl.u32 s16, $0x3;
	[tilespmem:s21+$0x1AA90] =	vst v3  }
0xa5: {  	s17 =	sor.u32 $0x1A700, s17;
	s15 =	sadd.s32 $0x3, s15;
	s16 =	sadd.s32 s4, s16;
	[tilespmem:s31+$0x1A700] =	vst v63  }
0xa6: {  	[hbm4b:s16+s5] =	stream.linear.scatter [tilespmem:s17], [sflag:s15], $0x1000, $0x38;
	[tilespmem:$0x1C700] =	vst v63  }
0xa7: {  	p0 =	por !p0, !p0;
	s16 =	smov.u32 s14  }
0xa8: {  	s13 =	sadd.s32 $0x1, s13  }
0xa9: {  	_ =	swait.ge [sflag:s11], $0x1000;
	p0 =	sne.s32 s13, s8  }
.Ltmp2:
0xaa: {  	[sflag:s11] =	ssyncset.done $0x0;
	(pc) =	sbr.rel @p0 .LBB2_1-.Ltmp2, $4  }
0xab: {  	[sflag:s11] =	ssyncadd.s32 $0xFFFFF000  }
0xac: {  	_ =	swait.ge [sflag:s12], $0x1000  }
0xad: {  	[sflag:s12] =	ssyncset.done $0x0  }
0xae: {  	[sflag:s12] =	ssyncadd.s32 $0xFFFFF000  }
0xaf: {  	_ =	sfence.sel $0x180000  }
0xb0: {  	[bflag:$0x0] =	sbarrier.arrive $0xFFFF  }
0xb1: {  	p0 =	sne.s32 s1, $0x0;
	_ =	strace $0x90000047  }
0xb2: {  	s0 =	sadd.s32 @!p0 $0x100000, s0;
	[bflag:$0x2] =	sbarrier.arrive $0xFFFF  }
0xb3: {  	[sflag:s0] =	ssyncadd.tile.s32 @!p0 $0x1;
	_ =	shalt  }
.Lfunc_end2:
_tile_overlayer_lowered:
.L_overlay_start_2:
0xb4: {  	(tag) =	ssettag $0x2  }
0xb5: {  	s0 =	rddreg [dreg:$0x0];
	s2 =	stileid.u32  }
0xb6: {  	s1 =	rddreg [dreg:$0x1];
	p0 =	sne.s32 s2, $0x0  }
0xb7: {  	s3 =	rddreg [dreg:$0x2];
	[bflag:$0x3] =	sbarrier.arrive $0xFFFF;
	s2 =	simm.s32 @!p0 $0x1C05  }
0xb8: {  	[timem:s3], [sflag:s2] =	dma.local @!p0 [hbm:s0], s1  }
0xb9: {  	s0 =	simm.s32 @!p0 $0x5  }
0xba: {  	_ =	swait.ge @!p0 [sflag:s0], s1  }
0xbb: {  	s1 =	ssub.s32 @!p0 $0x0, s1;
	[sflag:s0] =	ssyncset.done @!p0 $0x0  }
0xbc: {  	[sflag:s0] =	ssyncadd.s32 @!p0 s1  }
0xbd: {  	[bflag:$0x3] =	sbarrier.arrive $0xFFFF  }
0xbe: {  	_ =	shalt  }

</sc_bundles>
